<compile_context>
chip_gen: v7x
topology: tpu7x:2x2x1
jax: 0.10.2.dev20260603
libtpu: 0.0.44.dev20260713+nightly
codegen_flags: <defaults>
</compile_context>

<pallas_src>
import functools
import math

import jax
import jax.numpy as jnp
from jax import lax
from jax.experimental import pallas as pl
from jax.experimental.pallas import tpu as pltpu
from jax.experimental.pallas import tpu_sc as plsc

_LOG2 = math.log(2.0)

_NC = 2
_NS = 16
_NW = _NC * _NS


def _filter_body(ea_ref, ew_ref, w1_ref, b1_ref, w2_ref, b2_ref, out_ref, *, cutoff):
    z = jnp.dot(ea_ref[...], w1_ref[...], preferred_element_type=jnp.float32)
    z = z + b1_ref[...]
    z = jnp.maximum(z, 0.0) + jnp.log(1.0 + jnp.exp(-jnp.abs(z))) - _LOG2
    w = jnp.dot(z, w2_ref[...], preferred_element_type=jnp.float32) + b2_ref[...]
    c = 0.5 * (jnp.cos(ew_ref[...] * (math.pi / cutoff)) + 1.0)
    out_ref[...] = w * c


def _edge_filters(edge_attr, edge_weight, W_nn1, b_nn1, W_nn2, b_nn2, cutoff):
    E, R = edge_attr.shape
    H = W_nn1.shape[1]
    EB = 4000
    grid = (E // EB,)
    return pl.pallas_call(
        functools.partial(_filter_body, cutoff=cutoff),
        grid=grid,
        in_specs=[
            pl.BlockSpec((EB, R), lambda i: (i, 0)),
            pl.BlockSpec((EB, 1), lambda i: (i, 0)),
            pl.BlockSpec((R, H), lambda i: (0, 0)),
            pl.BlockSpec((1, H), lambda i: (0, 0)),
            pl.BlockSpec((H, H), lambda i: (0, 0)),
            pl.BlockSpec((1, H), lambda i: (0, 0)),
        ],
        out_specs=pl.BlockSpec((EB, H), lambda i: (i, 0)),
        out_shape=jax.ShapeDtypeStruct((E, H), jnp.float32),
    )(edge_attr, edge_weight.reshape(E, 1), W_nn1, b_nn1.reshape(1, H),
      W_nn2, b_nn2.reshape(1, H))


def _lin1_body(x_ref, w_ref, out_ref):
    out_ref[...] = jnp.dot(x_ref[...], w_ref[...], preferred_element_type=jnp.float32)


def _lin1(x, W_lin1):
    N, H = x.shape
    return pl.pallas_call(
        _lin1_body,
        out_shape=jax.ShapeDtypeStruct((N, H), jnp.float32),
    )(x, W_lin1)


def _make_scatter(NPAD, E, H):
    EPT = E // _NW
    CH = 80
    n_chunks = EPT // CH
    RPT = NPAD // _NS

    mesh = plsc.VectorSubcoreMesh(core_axis_name="c", subcore_axis_name="s")

    @functools.partial(
        pl.kernel,
        mesh=mesh,
        out_type=pltpu.HBM((_NC, NPAD, H), jnp.float32),
        scratch_types=[
            pltpu.VMEM((CH,), jnp.int32),
            pltpu.VMEM((CH,), jnp.int32),
            pltpu.VMEM((CH, H), jnp.float32),
            pltpu.VMEM((CH, H), jnp.float32),
            pltpu.VMEM_SHARED((NPAD, H), jnp.float32),
            pltpu.SemaphoreType.DMA,
        ],
    )
    def sc_kernel(h_hbm, wf_hbm, src_hbm, dst_hbm, out_hbm,
                  src_v, dst_v, wf_v, rows_v, agg_sh, sem):
        c = lax.axis_index("c")
        s = lax.axis_index("s")
        wid = s * _NC + c

        def zrow(r, _):
            for cb in range(H // 16):
                rows_v[r, pl.ds(cb * 16, 16)] = jnp.zeros((16,), jnp.float32)
            return 0
        lax.fori_loop(0, CH, zrow, 0)

        def zcopy(k, _):
            pltpu.sync_copy(rows_v, agg_sh.at[pl.ds(s * RPT + k * CH, CH), :])
            return 0
        lax.fori_loop(0, RPT // CH, zcopy, 0)
        plsc.subcore_barrier()

        def chunk(j, _):
            base = wid * EPT + j * CH
            pltpu.sync_copy(src_hbm.at[pl.ds(base, CH)], src_v)
            pltpu.sync_copy(dst_hbm.at[pl.ds(base, CH)], dst_v)
            pltpu.sync_copy(wf_hbm.at[pl.ds(base, CH), :], wf_v)
            pltpu.async_copy(h_hbm.at[src_v], rows_v, sem).wait()

            def mrow(r, _):
                for cb in range(H // 16):
                    sl = pl.ds(cb * 16, 16)
                    rows_v[r, sl] = rows_v[r, sl] * wf_v[r, sl]
                return 0
            lax.fori_loop(0, CH, mrow, 0)

            pltpu.sync_copy(rows_v, agg_sh.at[dst_v], add=True)
            return 0
        lax.fori_loop(0, n_chunks, chunk, 0)
        plsc.subcore_barrier()

        pltpu.sync_copy(agg_sh.at[pl.ds(s * RPT, RPT), :],
                        out_hbm.at[c, pl.ds(s * RPT, RPT), :])

    return sc_kernel


def _final_body(a0_ref, a1_ref, wl2_ref, bl2_ref, wo_ref, bo_ref, out_ref):
    a = a0_ref[...] + a1_ref[...]
    hh = jnp.dot(a, wl2_ref[...], preferred_element_type=jnp.float32) + bl2_ref[...]
    hh = jnp.tanh(hh)
    out_ref[...] = jnp.dot(hh, wo_ref[...], preferred_element_type=jnp.float32) + bo_ref[...]


def _final(a0, a1, W_lin2, b_lin2, W_out, b_out):
    N, H = a0.shape
    return pl.pallas_call(
        _final_body,
        out_shape=jax.ShapeDtypeStruct((N, H), jnp.float32),
    )(a0, a1, W_lin2, b_lin2.reshape(1, H), W_out, b_out.reshape(1, H))


def kernel(x, edge_index, edge_weight, edge_attr, W_lin1, W_nn1, b_nn1,
           W_nn2, b_nn2, W_lin2, b_lin2, W_out, b_out):
    N, H = x.shape
    E = edge_weight.shape[0]
    src = edge_index[0].astype(jnp.int32)
    dst = edge_index[1].astype(jnp.int32)

    h = _lin1(x, W_lin1)
    wf = _edge_filters(edge_attr, edge_weight, W_nn1, b_nn1, W_nn2, b_nn2, 10.0)
    npad = ((N + 80 * _NS - 1) // (80 * _NS)) * (80 * _NS)
    agg = _make_scatter(npad, E, H)(h, wf, src, dst)
    return _final(agg[0, :N], agg[1, :N], W_lin2, b_lin2, W_out, b_out)

# --- scband reference (transcript-rebuilt; emitter-appended) ---
"""Pipeline reference for scband-interaction-block-77232101916865 (READ-ONLY COPY).

The authoritative reference and input builder live on the scoring server;
editing this copy changes nothing except your own understanding.
"""

import jax, jax.numpy as jnp
import numpy as np

N = 10000
E = 320000
H = 128
R = 16
CUTOFF = 10.0

def shifted_softplus(z):
    return jax.nn.softplus(z) - jnp.log(2.0)

def setup_inputs(seed: int = 0) -> dict:
    key = jax.random.key(seed)
    ks = jax.random.split(key, 10)
    x = jax.random.normal(ks[0], (N, H), dtype=jnp.float32)
    edge_index = jax.random.randint(ks[1], (2, E), 0, N).astype(jnp.int64)
    edge_weight = jax.random.uniform(ks[2], (E,), dtype=jnp.float32) * CUTOFF
    edge_attr = jax.random.uniform(ks[3], (E, R), dtype=jnp.float32)
    def init(k, shape, fan_in):
        return jax.random.normal(k, shape, dtype=jnp.float32) * (1.0 / np.sqrt(fan_in))
    W_lin1 = init(ks[4], (H, H), H)          # CFConv lin1 (no bias)
    W_nn1 = init(ks[5], (R, H), R)           # filter net layer 1
    b_nn1 = jnp.zeros((H,), dtype=jnp.float32)
    W_nn2 = init(ks[6], (H, H), H)           # filter net layer 2
    b_nn2 = jnp.zeros((H,), dtype=jnp.float32)
    W_lin2 = init(ks[7], (H, H), H)          # CFConv lin2
    b_lin2 = jnp.zeros((H,), dtype=jnp.float32)
    W_out = init(ks[8], (H, H), H)           # InteractionBlock self.lin
    b_out = jnp.zeros((H,), dtype=jnp.float32)
    return {"x": x, "edge_index": edge_index, "edge_weight": edge_weight,
            "edge_attr": edge_attr, "W_lin1": W_lin1, "W_nn1": W_nn1,
            "b_nn1": b_nn1, "W_nn2": W_nn2, "b_nn2": b_nn2,
            "W_lin2": W_lin2, "b_lin2": b_lin2, "W_out": W_out, "b_out": b_out}

def reference(x, edge_index, edge_weight, edge_attr, W_lin1, W_nn1, b_nn1,
              W_nn2, b_nn2, W_lin2, b_lin2, W_out, b_out):
    # CFConv: cosine cutoff on distances
    C = 0.5 * (jnp.cos(edge_weight * jnp.pi / CUTOFF) + 1.0)
    # filter network on RBF-expanded distances
    Wf = shifted_softplus(edge_attr @ W_nn1 + b_nn1) @ W_nn2 + b_nn2
    Wf = Wf * C[:, None]
    # atomwise transform, gather source nodes, modulate by filter, scatter-add to dst
    h = x @ W_lin1
    src = edge_index[0]
    dst = edge_index[1]
    msg = jnp.take(h, src, axis=0) * Wf
    agg = jax.ops.segment_sum(msg, dst, num_segments=N)
    h = agg @ W_lin2 + b_lin2
    # InteractionBlock: activation (Tanh) then linear
    h = jnp.tanh(h)
    out = h @ W_out + b_out
    return out

if __name__ == "__main__":
    import jax
    _d = setup_inputs()
    print(jax.jit(kernel)(*tuple(_d.values())))

</pallas_src>

<mosaic_0001>
#map = affine_map<(d0, d1) -> (0, 0)>
#map1 = affine_map<(d0, d1) -> (0)>
#map2 = affine_map<(d0, d1) -> (0, 0, 0)>
module attributes {stable_mosaic.version = 14 : i64} {
  func.func @sc_kernel(%arg0: i32, %arg1: i32, %arg2: memref<10000x128xf32, #tpu.memory_space<hbm>>, %arg3: memref<320000x128xf32, #tpu.memory_space<hbm>>, %arg4: memref<320000xi32, #tpu.memory_space<hbm>>, %arg5: memref<320000xi32, #tpu.memory_space<hbm>>, %arg6: memref<2x10240x128xf32, #tpu.memory_space<hbm>>, %arg7: memref<80xi32, #tpu.memory_space<vmem>>, %arg8: memref<80xi32, #tpu.memory_space<vmem>>, %arg9: memref<80x128xf32, #tpu.memory_space<vmem>>, %arg10: memref<80x128xf32, #tpu.memory_space<vmem>>, %arg11: memref<10240x128xf32, #tpu.memory_space<vmem_shared>>, %arg12: memref<!tpu.dma_semaphore, #tpu.memory_space<semaphore_mem>>) attributes {dimension_semantics = [#tpu.dimension_semantics<core_parallel>, #tpu.dimension_semantics<subcore_parallel>], iteration_bounds = array<i64: 2, 16>, scalar_prefetch = 0 : i64, scratch_operands = 6 : i64, tpu.core_type = #tpu.core_type<sc_vector_subcore>, window_params = [{transform_indices = #map}, {transform_indices = #map}, {transform_indices = #map1}, {transform_indices = #map1}, {transform_indices = #map2}]} {
    %mul3A = arith.constant 2 : i32
    %mul3A_0 = arith.muli %arg1, %mul3A : i32
    %add3A = arith.addi %mul3A_0, %arg0 : i32
    %scan3A = arith.constant 0 : i32
    %scan3A_1 = arith.constant 0 : i32
    %scan3A_2 = arith.constant 80 : i32
    %scan3A_3 = arith.addi %scan3A_1, %scan3A_2 : i32
    %scan3A_4 = arith.constant 1 : i32
    %scan3A_5 = scf.for %scan3A_26 = %scan3A_1 to %scan3A_3 step %scan3A_4 iter_args(%scan3A_27 = %scan3A) -> (i32)  : i32 {
      %broadcast_in_dim3A = arith.constant 0.000000e+00 : f32
      %broadcast_in_dim3A_28 = vector.broadcast %broadcast_in_dim3A : f32 to vector<16xf32>
      %swap3A = arith.index_cast %scan3A_26 : i32 to index
      %swap3A_29 = arith.constant 0 : index
      %swap3A_30 = tpu.vector_load %arg10[%swap3A, %swap3A_29] {strides = array<i32>} : memref<80x128xf32, #tpu.memory_space<vmem>>, vector<1x16xf32>,
      %swap3A_31 = vector.shape_cast %swap3A_30 : vector<1x16xf32> to vector<16xf32>
      %swap3A_32 = vector.shape_cast %broadcast_in_dim3A_28 : vector<16xf32> to vector<1x16xf32>
      tpu.vector_store %arg10[%swap3A, %swap3A_29], %swap3A_32 {strides = array<i32>} : memref<80x128xf32, #tpu.memory_space<vmem>>, vector<1x16xf32>,
      %broadcast_in_dim3A_33 = arith.constant 0.000000e+00 : f32
      %broadcast_in_dim3A_34 = vector.broadcast %broadcast_in_dim3A_33 : f32 to vector<16xf32>
      %swap3A_35 = arith.index_cast %scan3A_26 : i32 to index
      %swap3A_36 = arith.constant 16 : index
      %swap3A_37 = tpu.vector_load %arg10[%swap3A_35, %swap3A_36] {strides = array<i32>} : memref<80x128xf32, #tpu.memory_space<vmem>>, vector<1x16xf32>,
      %swap3A_38 = vector.shape_cast %swap3A_37 : vector<1x16xf32> to vector<16xf32>
      %swap3A_39 = vector.shape_cast %broadcast_in_dim3A_34 : vector<16xf32> to vector<1x16xf32>
      tpu.vector_store %arg10[%swap3A_35, %swap3A_36], %swap3A_39 {strides = array<i32>} : memref<80x128xf32, #tpu.memory_space<vmem>>, vector<1x16xf32>,
      %broadcast_in_dim3A_40 = arith.constant 0.000000e+00 : f32
      %broadcast_in_dim3A_41 = vector.broadcast %broadcast_in_dim3A_40 : f32 to vector<16xf32>
      %swap3A_42 = arith.index_cast %scan3A_26 : i32 to index
      %swap3A_43 = arith.constant 32 : index
      %swap3A_44 = tpu.vector_load %arg10[%swap3A_42, %swap3A_43] {strides = array<i32>} : memref<80x128xf32, #tpu.memory_space<vmem>>, vector<1x16xf32>,
      %swap3A_45 = vector.shape_cast %swap3A_44 : vector<1x16xf32> to vector<16xf32>
      %swap3A_46 = vector.shape_cast %broadcast_in_dim3A_41 : vector<16xf32> to vector<1x16xf32>
      tpu.vector_store %arg10[%swap3A_42, %swap3A_43], %swap3A_46 {strides = array<i32>} : memref<80x128xf32, #tpu.memory_space<vmem>>, vector<1x16xf32>,
      %broadcast_in_dim3A_47 = arith.constant 0.000000e+00 : f32
      %broadcast_in_dim3A_48 = vector.broadcast %broadcast_in_dim3A_47 : f32 to vector<16xf32>
      %swap3A_49 = arith.index_cast %scan3A_26 : i32 to index
      %swap3A_50 = arith.constant 48 : index
      %swap3A_51 = tpu.vector_load %arg10[%swap3A_49, %swap3A_50] {strides = array<i32>} : memref<80x128xf32, #tpu.memory_space<vmem>>, vector<1x16xf32>,
      %swap3A_52 = vector.shape_cast %swap3A_51 : vector<1x16xf32> to vector<16xf32>
      %swap3A_53 = vector.shape_cast %broadcast_in_dim3A_48 : vector<16xf32> to vector<1x16xf32>
      tpu.vector_store %arg10[%swap3A_49, %swap3A_50], %swap3A_53 {strides = array<i32>} : memref<80x128xf32, #tpu.memory_space<vmem>>, vector<1x16xf32>,
      %broadcast_in_dim3A_54 = arith.constant 0.000000e+00 : f32
      %broadcast_in_dim3A_55 = vector.broadcast %broadcast_in_dim3A_54 : f32 to vector<16xf32>
      %swap3A_56 = arith.index_cast %scan3A_26 : i32 to index
      %swap3A_57 = arith.constant 64 : index
      %swap3A_58 = tpu.vector_load %arg10[%swap3A_56, %swap3A_57] {strides = array<i32>} : memref<80x128xf32, #tpu.memory_space<vmem>>, vector<1x16xf32>,
      %swap3A_59 = vector.shape_cast %swap3A_58 : vector<1x16xf32> to vector<16xf32>
      %swap3A_60 = vector.shape_cast %broadcast_in_dim3A_55 : vector<16xf32> to vector<1x16xf32>
      tpu.vector_store %arg10[%swap3A_56, %swap3A_57], %swap3A_60 {strides = array<i32>} : memref<80x128xf32, #tpu.memory_space<vmem>>, vector<1x16xf32>,
      %broadcast_in_dim3A_61 = arith.constant 0.000000e+00 : f32
      %broadcast_in_dim3A_62 = vector.broadcast %broadcast_in_dim3A_61 : f32 to vector<16xf32>
      %swap3A_63 = arith.index_cast %scan3A_26 : i32 to index
      %swap3A_64 = arith.constant 80 : index
      %swap3A_65 = tpu.vector_load %arg10[%swap3A_63, %swap3A_64] {strides = array<i32>} : memref<80x128xf32, #tpu.memory_space<vmem>>, vector<1x16xf32>,
      %swap3A_66 = vector.shape_cast %swap3A_65 : vector<1x16xf32> to vector<16xf32>
      %swap3A_67 = vector.shape_cast %broadcast_in_dim3A_62 : vector<16xf32> to vector<1x16xf32>
      tpu.vector_store %arg10[%swap3A_63, %swap3A_64], %swap3A_67 {strides = array<i32>} : memref<80x128xf32, #tpu.memory_space<vmem>>, vector<1x16xf32>,
      %broadcast_in_dim3A_68 = arith.constant 0.000000e+00 : f32
      %broadcast_in_dim3A_69 = vector.broadcast %broadcast_in_dim3A_68 : f32 to vector<16xf32>
      %swap3A_70 = arith.index_cast %scan3A_26 : i32 to index
      %swap3A_71 = arith.constant 96 : index
      %swap3A_72 = tpu.vector_load %arg10[%swap3A_70, %swap3A_71] {strides = array<i32>} : memref<80x128xf32, #tpu.memory_space<vmem>>, vector<1x16xf32>,
      %swap3A_73 = vector.shape_cast %swap3A_72 : vector<1x16xf32> to vector<16xf32>
      %swap3A_74 = vector.shape_cast %broadcast_in_dim3A_69 : vector<16xf32> to vector<1x16xf32>
      tpu.vector_store %arg10[%swap3A_70, %swap3A_71], %swap3A_74 {strides = array<i32>} : memref<80x128xf32, #tpu.memory_space<vmem>>, vector<1x16xf32>,
      %broadcast_in_dim3A_75 = arith.constant 0.000000e+00 : f32
      %broadcast_in_dim3A_76 = vector.broadcast %broadcast_in_dim3A_75 : f32 to vector<16xf32>
      %swap3A_77 = arith.index_cast %scan3A_26 : i32 to index
      %swap3A_78 = arith.constant 112 : index
      %swap3A_79 = tpu.vector_load %arg10[%swap3A_77, %swap3A_78] {strides = array<i32>} : memref<80x128xf32, #tpu.memory_space<vmem>>, vector<1x16xf32>,
      %swap3A_80 = vector.shape_cast %swap3A_79 : vector<1x16xf32> to vector<16xf32>
      %swap3A_81 = vector.shape_cast %broadcast_in_dim3A_76 : vector<16xf32> to vector<1x16xf32>
      tpu.vector_store %arg10[%swap3A_77, %swap3A_78], %swap3A_81 {strides = array<i32>} : memref<80x128xf32, #tpu.memory_space<vmem>>, vector<1x16xf32>,
      %scan3A_82 = arith.constant 0 : i32
      scf.yield %scan3A_82 : i32
    }
    %scan3A_6 = arith.constant 80 : i32
    %scan3A_7 = arith.constant 0 : i32
    %scan3A_8 = arith.constant 0 : i32
    %scan3A_9 = arith.constant 8 : i32
    %scan3A_10 = arith.addi %scan3A_8, %scan3A_9 : i32
    %scan3A_11 = arith.constant 1 : i32
    %scan3A_12 = scf.for %scan3A_26 = %scan3A_8 to %scan3A_10 step %scan3A_11 iter_args(%scan3A_27 = %scan3A_7) -> (i32)  : i32 {
      %mul3A_28 = arith.constant 640 : i32
      %mul3A_29 = arith.muli %arg1, %mul3A_28 : i32
      %mul3A_30 = arith.constant 80 : i32
      %mul3A_31 = arith.muli %scan3A_26, %mul3A_30 : i32
      %add3A_32 = arith.addi %mul3A_29, %mul3A_31 : i32
      "tpu.region"() ({
        %run_scoped3A = tpu.sem_alloc : memref<!tpu.dma_semaphore, #tpu.memory_space<semaphore_mem>>
        %dma_start3A = arith.constant 0 : i32
        %dma_start3A_34 = tpu.memref_slice %arg11[%add3A_32, %dma_start3A] : memref<10240x128xf32, #tpu.memory_space<vmem_shared>> -> memref<80x128xf32, #tpu.memory_space<vmem_shared>>
        %dma_start3A_35 = arith.constant 0 : i32
        %dma_start3A_36 = tpu.memref_slice %arg11[%add3A_32, %dma_start3A_35] : memref<10240x128xf32, #tpu.memory_space<vmem_shared>> -> memref<80x128xf32, #tpu.memory_space<vmem_shared>>
        tpu.enqueue_dma source(%arg10 : memref<80x128xf32, #tpu.memory_space<vmem>>) target(%dma_start3A_36 : memref<80x128xf32, #tpu.memory_space<vmem_shared>>) target_semaphore(%run_scoped3A : memref<!tpu.dma_semaphore, #tpu.memory_space<semaphore_mem>>)
        %dma_wait3A = arith.constant 0 : i32
        %dma_wait3A_37 = tpu.memref_slice %arg11[%add3A_32, %dma_wait3A] : memref<10240x128xf32, #tpu.memory_space<vmem_shared>> -> memref<80x128xf32, #tpu.memory_space<vmem_shared>>
        %dma_wait3A_38 = arith.constant 0 : i32
        %dma_wait3A_39 = tpu.memref_slice %arg11[%add3A_32, %dma_wait3A_38] : memref<10240x128xf32, #tpu.memory_space<vmem_shared>> -> memref<80x128xf32, #tpu.memory_space<vmem_shared>>
        tpu.wait_dma2 semaphore(%run_scoped3A : memref<!tpu.dma_semaphore, #tpu.memory_space<semaphore_mem>>) src(%arg10 : memref<80x128xf32, #tpu.memory_space<vmem>>) dst(%dma_wait3A_39 : memref<80x128xf32, #tpu.memory_space<vmem_shared>>)
        tpu.yield
      }) : () -> ()
      %scan3A_33 = arith.constant 0 : i32
      scf.yield %scan3A_33 : i32
    }
    %scan3A_13 = arith.constant 8 : i32
    %barrier3A = arith.constant 0 : index
    tpu.barrier barrier_id(%barrier3A)
    %scan3A_14 = arith.constant 0 : i32
    %scan3A_15 = arith.constant 0 : i32
    %scan3A_16 = arith.constant 125 : i32
    %scan3A_17 = arith.addi %scan3A_15, %scan3A_16 : i32
    %scan3A_18 = arith.constant 1 : i32
    %scan3A_19 = scf.for %scan3A_26 = %scan3A_15 to %scan3A_17 step %scan3A_18 iter_args(%scan3A_27 = %scan3A_14) -> (i32)  : i32 {
      %mul3A_28 = arith.constant 10000 : i32
      %mul3A_29 = arith.muli %add3A, %mul3A_28 : i32
      %mul3A_30 = arith.constant 80 : i32
      %mul3A_31 = arith.muli %scan3A_26, %mul3A_30 : i32
      %add3A_32 = arith.addi %mul3A_29, %mul3A_31 : i32
      "tpu.region"() ({
        %run_scoped3A = tpu.sem_alloc : memref<!tpu.dma_semaphore, #tpu.memory_space<semaphore_mem>>
        %dma_start3A_45 = tpu.memref_slice %arg4[%add3A_32] : memref<320000xi32, #tpu.memory_space<hbm>> -> memref<80xi32, #tpu.memory_space<hbm>>
        %dma_start3A_46 = tpu.memref_slice %arg4[%add3A_32] : memref<320000xi32, #tpu.memory_space<hbm>> -> memref<80xi32, #tpu.memory_space<hbm>>
        tpu.enqueue_dma source(%dma_start3A_46 : memref<80xi32, #tpu.memory_space<hbm>>) target(%arg7 : memref<80xi32, #tpu.memory_space<vmem>>) target_semaphore(%run_scoped3A : memref<!tpu.dma_semaphore, #tpu.memory_space<semaphore_mem>>)
        %dma_wait3A_47 = tpu.memref_slice %arg4[%add3A_32] : memref<320000xi32, #tpu.memory_space<hbm>> -> memref<80xi32, #tpu.memory_space<hbm>>
        %dma_wait3A_48 = tpu.memref_slice %arg4[%add3A_32] : memref<320000xi32, #tpu.memory_space<hbm>> -> memref<80xi32, #tpu.memory_space<hbm>>
        tpu.wait_dma2 semaphore(%run_scoped3A : memref<!tpu.dma_semaphore, #tpu.memory_space<semaphore_mem>>) src(%dma_wait3A_48 : memref<80xi32, #tpu.memory_space<hbm>>) dst(%arg7 : memref<80xi32, #tpu.memory_space<vmem>>)
        tpu.yield
      }) : () -> ()
      "tpu.region"() ({
        %run_scoped3A = tpu.sem_alloc : memref<!tpu.dma_semaphore, #tpu.memory_space<semaphore_mem>>
        %dma_start3A_45 = tpu.memref_slice %arg5[%add3A_32] : memref<320000xi32, #tpu.memory_space<hbm>> -> memref<80xi32, #tpu.memory_space<hbm>>
        %dma_start3A_46 = tpu.memref_slice %arg5[%add3A_32] : memref<320000xi32, #tpu.memory_space<hbm>> -> memref<80xi32, #tpu.memory_space<hbm>>
        tpu.enqueue_dma source(%dma_start3A_46 : memref<80xi32, #tpu.memory_space<hbm>>) target(%arg8 : memref<80xi32, #tpu.memory_space<vmem>>) target_semaphore(%run_scoped3A : memref<!tpu.dma_semaphore, #tpu.memory_space<semaphore_mem>>)
        %dma_wait3A_47 = tpu.memref_slice %arg5[%add3A_32] : memref<320000xi32, #tpu.memory_space<hbm>> -> memref<80xi32, #tpu.memory_space<hbm>>
        %dma_wait3A_48 = tpu.memref_slice %arg5[%add3A_32] : memref<320000xi32, #tpu.memory_space<hbm>> -> memref<80xi32, #tpu.memory_space<hbm>>
        tpu.wait_dma2 semaphore(%run_scoped3A : memref<!tpu.dma_semaphore, #tpu.memory_space<semaphore_mem>>) src(%dma_wait3A_48 : memref<80xi32, #tpu.memory_space<hbm>>) dst(%arg8 : memref<80xi32, #tpu.memory_space<vmem>>)
        tpu.yield
      }) : () -> ()
      "tpu.region"() ({
        %run_scoped3A = tpu.sem_alloc : memref<!tpu.dma_semaphore, #tpu.memory_space<semaphore_mem>>
        %dma_start3A_45 = arith.constant 0 : i32
        %dma_start3A_46 = tpu.memref_slice %arg3[%add3A_32, %dma_start3A_45] : memref<320000x128xf32, #tpu.memory_space<hbm>> -> memref<80x128xf32, #tpu.memory_space<hbm>>
        %dma_start3A_47 = arith.constant 0 : i32
        %dma_start3A_48 = tpu.memref_slice %arg3[%add3A_32, %dma_start3A_47] : memref<320000x128xf32, #tpu.memory_space<hbm>> -> memref<80x128xf32, #tpu.memory_space<hbm>>
        tpu.enqueue_dma source(%dma_start3A_48 : memref<80x128xf32, #tpu.memory_space<hbm>>) target(%arg9 : memref<80x128xf32, #tpu.memory_space<vmem>>) target_semaphore(%run_scoped3A : memref<!tpu.dma_semaphore, #tpu.memory_space<semaphore_mem>>)
        %dma_wait3A_49 = arith.constant 0 : i32
        %dma_wait3A_50 = tpu.memref_slice %arg3[%add3A_32, %dma_wait3A_49] : memref<320000x128xf32, #tpu.memory_space<hbm>> -> memref<80x128xf32, #tpu.memory_space<hbm>>
        %dma_wait3A_51 = arith.constant 0 : i32
        %dma_wait3A_52 = tpu.memref_slice %arg3[%add3A_32, %dma_wait3A_51] : memref<320000x128xf32, #tpu.memory_space<hbm>> -> memref<80x128xf32, #tpu.memory_space<hbm>>
        tpu.wait_dma2 semaphore(%run_scoped3A : memref<!tpu.dma_semaphore, #tpu.memory_space<semaphore_mem>>) src(%dma_wait3A_52 : memref<80x128xf32, #tpu.memory_space<hbm>>) dst(%arg9 : memref<80x128xf32, #tpu.memory_space<vmem>>)
        tpu.yield
      }) : () -> ()
      %dma_start3A = arith.constant 0 : i32
      %dma_start3A_33 = arith.constant 0 : i32
      %dma_start3A_34 = tpu.memref_slice %arg2[%dma_start3A, %dma_start3A_33] : memref<10000x128xf32, #tpu.memory_space<hbm>> -> memref<10000x128xf32, #tpu.memory_space<hbm>>
      tpu.enqueue_indirect_dma source(%dma_start3A_34 : memref<10000x128xf32, #tpu.memory_space<hbm>>) target(%arg10 : memref<80x128xf32, #tpu.memory_space<vmem>>) offsets(%arg7 : memref<80xi32, #tpu.memory_space<vmem>>) semaphore(%arg12 : memref<!tpu.dma_semaphore, #tpu.memory_space<semaphore_mem>>)
      %dma_wait3A = arith.constant 0 : i32
      %dma_wait3A_35 = arith.constant 0 : i32
      %dma_wait3A_36 = tpu.memref_slice %arg2[%dma_wait3A, %dma_wait3A_35] : memref<10000x128xf32, #tpu.memory_space<hbm>> -> memref<10000x128xf32, #tpu.memory_space<hbm>>
      tpu.wait_indirect_dma semaphore(%arg12 : memref<!tpu.dma_semaphore, #tpu.memory_space<semaphore_mem>>) src(%dma_wait3A_36 : memref<10000x128xf32, #tpu.memory_space<hbm>>) dst(%arg10 : memref<80x128xf32, #tpu.memory_space<vmem>>)
      %scan3A_37 = arith.constant 0 : i32
      %scan3A_38 = arith.constant 0 : i32
      %scan3A_39 = arith.constant 80 : i32
      %scan3A_40 = arith.addi %scan3A_38, %scan3A_39 : i32
      %scan3A_41 = arith.constant 1 : i32
      %scan3A_42 = scf.for %scan3A_45 = %scan3A_38 to %scan3A_40 step %scan3A_41 iter_args(%scan3A_46 = %scan3A_37) -> (i32)  : i32 {
        %get3A = arith.index_cast %scan3A_45 : i32 to index
        %get3A_47 = arith.constant 0 : index
        %get3A_48 = tpu.vector_load %arg10[%get3A, %get3A_47] {strides = array<i32>} : memref<80x128xf32, #tpu.memory_space<vmem>>, vector<1x16xf32>,
        %get3A_49 = vector.shape_cast %get3A_48 : vector<1x16xf32> to vector<16xf32>
        %get3A_50 = arith.index_cast %scan3A_45 : i32 to index
        %get3A_51 = arith.constant 0 : index
        %get3A_52 = tpu.vector_load %arg9[%get3A_50, %get3A_51] {strides = array<i32>} : memref<80x128xf32, #tpu.memory_space<vmem>>, vector<1x16xf32>,
        %get3A_53 = vector.shape_cast %get3A_52 : vector<1x16xf32> to vector<16xf32>
        %mul3A_54 = arith.mulf %get3A_49, %get3A_53 : vector<16xf32>
        %swap3A = arith.index_cast %scan3A_45 : i32 to index
        %swap3A_55 = arith.constant 0 : index
        %swap3A_56 = tpu.vector_load %arg10[%swap3A, %swap3A_55] {strides = array<i32>} : memref<80x128xf32, #tpu.memory_space<vmem>>, vector<1x16xf32>,
        %swap3A_57 = vector.shape_cast %swap3A_56 : vector<1x16xf32> to vector<16xf32>
        %swap3A_58 = vector.shape_cast %mul3A_54 : vector<16xf32> to vector<1x16xf32>
        tpu.vector_store %arg10[%swap3A, %swap3A_55], %swap3A_58 {strides = array<i32>} : memref<80x128xf32, #tpu.memory_space<vmem>>, vector<1x16xf32>,
        %get3A_59 = arith.index_cast %scan3A_45 : i32 to index
        %get3A_60 = arith.constant 16 : index
        %get3A_61 = tpu.vector_load %arg10[%get3A_59, %get3A_60] {strides = array<i32>} : memref<80x128xf32, #tpu.memory_space<vmem>>, vector<1x16xf32>,
        %get3A_62 = vector.shape_cast %get3A_61 : vector<1x16xf32> to vector<16xf32>
        %get3A_63 = arith.index_cast %scan3A_45 : i32 to index
        %get3A_64 = arith.constant 16 : index
        %get3A_65 = tpu.vector_load %arg9[%get3A_63, %get3A_64] {strides = array<i32>} : memref<80x128xf32, #tpu.memory_space<vmem>>, vector<1x16xf32>,
        %get3A_66 = vector.shape_cast %get3A_65 : vector<1x16xf32> to vector<16xf32>
        %mul3A_67 = arith.mulf %get3A_62, %get3A_66 : vector<16xf32>
        %swap3A_68 = arith.index_cast %scan3A_45 : i32 to index
        %swap3A_69 = arith.constant 16 : index
        %swap3A_70 = tpu.vector_load %arg10[%swap3A_68, %swap3A_69] {strides = array<i32>} : memref<80x128xf32, #tpu.memory_space<vmem>>, vector<1x16xf32>,
        %swap3A_71 = vector.shape_cast %swap3A_70 : vector<1x16xf32> to vector<16xf32>
        %swap3A_72 = vector.shape_cast %mul3A_67 : vector<16xf32> to vector<1x16xf32>
        tpu.vector_store %arg10[%swap3A_68, %swap3A_69], %swap3A_72 {strides = array<i32>} : memref<80x128xf32, #tpu.memory_space<vmem>>, vector<1x16xf32>,
        %get3A_73 = arith.index_cast %scan3A_45 : i32 to index
        %get3A_74 = arith.constant 32 : index
        %get3A_75 = tpu.vector_load %arg10[%get3A_73, %get3A_74] {strides = array<i32>} : memref<80x128xf32, #tpu.memory_space<vmem>>, vector<1x16xf32>,
        %get3A_76 = vector.shape_cast %get3A_75 : vector<1x16xf32> to vector<16xf32>
        %get3A_77 = arith.index_cast %scan3A_45 : i32 to index
        %get3A_78 = arith.constant 32 : index
        %get3A_79 = tpu.vector_load %arg9[%get3A_77, %get3A_78] {strides = array<i32>} : memref<80x128xf32, #tpu.memory_space<vmem>>, vector<1x16xf32>,
        %get3A_80 = vector.shape_cast %get3A_79 : vector<1x16xf32> to vector<16xf32>
        %mul3A_81 = arith.mulf %get3A_76, %get3A_80 : vector<16xf32>
        %swap3A_82 = arith.index_cast %scan3A_45 : i32 to index
        %swap3A_83 = arith.constant 32 : index
        %swap3A_84 = tpu.vector_load %arg10[%swap3A_82, %swap3A_83] {strides = array<i32>} : memref<80x128xf32, #tpu.memory_space<vmem>>, vector<1x16xf32>,
        %swap3A_85 = vector.shape_cast %swap3A_84 : vector<1x16xf32> to vector<16xf32>
        %swap3A_86 = vector.shape_cast %mul3A_81 : vector<16xf32> to vector<1x16xf32>
        tpu.vector_store %arg10[%swap3A_82, %swap3A_83], %swap3A_86 {strides = array<i32>} : memref<80x128xf32, #tpu.memory_space<vmem>>, vector<1x16xf32>,
        %get3A_87 = arith.index_cast %scan3A_45 : i32 to index
        %get3A_88 = arith.constant 48 : index
        %get3A_89 = tpu.vector_load %arg10[%get3A_87, %get3A_88] {strides = array<i32>} : memref<80x128xf32, #tpu.memory_space<vmem>>, vector<1x16xf32>,
        %get3A_90 = vector.shape_cast %get3A_89 : vector<1x16xf32> to vector<16xf32>
        %get3A_91 = arith.index_cast %scan3A_45 : i32 to index
        %get3A_92 = arith.constant 48 : index
        %get3A_93 = tpu.vector_load %arg9[%get3A_91, %get3A_92] {strides = array<i32>} : memref<80x128xf32, #tpu.memory_space<vmem>>, vector<1x16xf32>,
        %get3A_94 = vector.shape_cast %get3A_93 : vector<1x16xf32> to vector<16xf32>
        %mul3A_95 = arith.mulf %get3A_90, %get3A_94 : vector<16xf32>
        %swap3A_96 = arith.index_cast %scan3A_45 : i32 to index
        %swap3A_97 = arith.constant 48 : index
        %swap3A_98 = tpu.vector_load %arg10[%swap3A_96, %swap3A_97] {strides = array<i32>} : memref<80x128xf32, #tpu.memory_space<vmem>>, vector<1x16xf32>,
        %swap3A_99 = vector.shape_cast %swap3A_98 : vector<1x16xf32> to vector<16xf32>
        %swap3A_100 = vector.shape_cast %mul3A_95 : vector<16xf32> to vector<1x16xf32>
        tpu.vector_store %arg10[%swap3A_96, %swap3A_97], %swap3A_100 {strides = array<i32>} : memref<80x128xf32, #tpu.memory_space<vmem>>, vector<1x16xf32>,
        %get3A_101 = arith.index_cast %scan3A_45 : i32 to index
        %get3A_102 = arith.constant 64 : index
        %get3A_103 = tpu.vector_load %arg10[%get3A_101, %get3A_102] {strides = array<i32>} : memref<80x128xf32, #tpu.memory_space<vmem>>, vector<1x16xf32>,
        %get3A_104 = vector.shape_cast %get3A_103 : vector<1x16xf32> to vector<16xf32>
        %get3A_105 = arith.index_cast %scan3A_45 : i32 to index
        %get3A_106 = arith.constant 64 : index
        %get3A_107 = tpu.vector_load %arg9[%get3A_105, %get3A_106] {strides = array<i32>} : memref<80x128xf32, #tpu.memory_space<vmem>>, vector<1x16xf32>,
        %get3A_108 = vector.shape_cast %get3A_107 : vector<1x16xf32> to vector<16xf32>
        %mul3A_109 = arith.mulf %get3A_104, %get3A_108 : vector<16xf32>
        %swap3A_110 = arith.index_cast %scan3A_45 : i32 to index
        %swap3A_111 = arith.constant 64 : index
        %swap3A_112 = tpu.vector_load %arg10[%swap3A_110, %swap3A_111] {strides = array<i32>} : memref<80x128xf32, #tpu.memory_space<vmem>>, vector<1x16xf32>,
        %swap3A_113 = vector.shape_cast %swap3A_112 : vector<1x16xf32> to vector<16xf32>
        %swap3A_114 = vector.shape_cast %mul3A_109 : vector<16xf32> to vector<1x16xf32>
        tpu.vector_store %arg10[%swap3A_110, %swap3A_111], %swap3A_114 {strides = array<i32>} : memref<80x128xf32, #tpu.memory_space<vmem>>, vector<1x16xf32>,
        %get3A_115 = arith.index_cast %scan3A_45 : i32 to index
        %get3A_116 = arith.constant 80 : index
        %get3A_117 = tpu.vector_load %arg10[%get3A_115, %get3A_116] {strides = array<i32>} : memref<80x128xf32, #tpu.memory_space<vmem>>, vector<1x16xf32>,
        %get3A_118 = vector.shape_cast %get3A_117 : vector<1x16xf32> to vector<16xf32>
        %get3A_119 = arith.index_cast %scan3A_45 : i32 to index
        %get3A_120 = arith.constant 80 : index
        %get3A_121 = tpu.vector_load %arg9[%get3A_119, %get3A_120] {strides = array<i32>} : memref<80x128xf32, #tpu.memory_space<vmem>>, vector<1x16xf32>,
        %get3A_122 = vector.shape_cast %get3A_121 : vector<1x16xf32> to vector<16xf32>
        %mul3A_123 = arith.mulf %get3A_118, %get3A_122 : vector<16xf32>
        %swap3A_124 = arith.index_cast %scan3A_45 : i32 to index
        %swap3A_125 = arith.constant 80 : index
        %swap3A_126 = tpu.vector_load %arg10[%swap3A_124, %swap3A_125] {strides = array<i32>} : memref<80x128xf32, #tpu.memory_space<vmem>>, vector<1x16xf32>,
        %swap3A_127 = vector.shape_cast %swap3A_126 : vector<1x16xf32> to vector<16xf32>
        %swap3A_128 = vector.shape_cast %mul3A_123 : vector<16xf32> to vector<1x16xf32>
        tpu.vector_store %arg10[%swap3A_124, %swap3A_125], %swap3A_128 {strides = array<i32>} : memref<80x128xf32, #tpu.memory_space<vmem>>, vector<1x16xf32>,
        %get3A_129 = arith.index_cast %scan3A_45 : i32 to index
        %get3A_130 = arith.constant 96 : index
        %get3A_131 = tpu.vector_load %arg10[%get3A_129, %get3A_130] {strides = array<i32>} : memref<80x128xf32, #tpu.memory_space<vmem>>, vector<1x16xf32>,
        %get3A_132 = vector.shape_cast %get3A_131 : vector<1x16xf32> to vector<16xf32>
        %get3A_133 = arith.index_cast %scan3A_45 : i32 to index
        %get3A_134 = arith.constant 96 : index
        %get3A_135 = tpu.vector_load %arg9[%get3A_133, %get3A_134] {strides = array<i32>} : memref<80x128xf32, #tpu.memory_space<vmem>>, vector<1x16xf32>,
        %get3A_136 = vector.shape_cast %get3A_135 : vector<1x16xf32> to vector<16xf32>
        %mul3A_137 = arith.mulf %get3A_132, %get3A_136 : vector<16xf32>
        %swap3A_138 = arith.index_cast %scan3A_45 : i32 to index
        %swap3A_139 = arith.constant 96 : index
        %swap3A_140 = tpu.vector_load %arg10[%swap3A_138, %swap3A_139] {strides = array<i32>} : memref<80x128xf32, #tpu.memory_space<vmem>>, vector<1x16xf32>,
        %swap3A_141 = vector.shape_cast %swap3A_140 : vector<1x16xf32> to vector<16xf32>
        %swap3A_142 = vector.shape_cast %mul3A_137 : vector<16xf32> to vector<1x16xf32>
        tpu.vector_store %arg10[%swap3A_138, %swap3A_139], %swap3A_142 {strides = array<i32>} : memref<80x128xf32, #tpu.memory_space<vmem>>, vector<1x16xf32>,
        %get3A_143 = arith.index_cast %scan3A_45 : i32 to index
        %get3A_144 = arith.constant 112 : index
        %get3A_145 = tpu.vector_load %arg10[%get3A_143, %get3A_144] {strides = array<i32>} : memref<80x128xf32, #tpu.memory_space<vmem>>, vector<1x16xf32>,
        %get3A_146 = vector.shape_cast %get3A_145 : vector<1x16xf32> to vector<16xf32>
        %get3A_147 = arith.index_cast %scan3A_45 : i32 to index
        %get3A_148 = arith.constant 112 : index
        %get3A_149 = tpu.vector_load %arg9[%get3A_147, %get3A_148] {strides = array<i32>} : memref<80x128xf32, #tpu.memory_space<vmem>>, vector<1x16xf32>,
        %get3A_150 = vector.shape_cast %get3A_149 : vector<1x16xf32> to vector<16xf32>
        %mul3A_151 = arith.mulf %get3A_146, %get3A_150 : vector<16xf32>
        %swap3A_152 = arith.index_cast %scan3A_45 : i32 to index
        %swap3A_153 = arith.constant 112 : index
        %swap3A_154 = tpu.vector_load %arg10[%swap3A_152, %swap3A_153] {strides = array<i32>} : memref<80x128xf32, #tpu.memory_space<vmem>>, vector<1x16xf32>,
        %swap3A_155 = vector.shape_cast %swap3A_154 : vector<1x16xf32> to vector<16xf32>
        %swap3A_156 = vector.shape_cast %mul3A_151 : vector<16xf32> to vector<1x16xf32>
        tpu.vector_store %arg10[%swap3A_152, %swap3A_153], %swap3A_156 {strides = array<i32>} : memref<80x128xf32, #tpu.memory_space<vmem>>, vector<1x16xf32>,
        %scan3A_157 = arith.constant 0 : i32
        scf.yield %scan3A_157 : i32
      }
      %scan3A_43 = arith.constant 80 : i32
      "tpu.region"() ({
        %run_scoped3A = tpu.sem_alloc : memref<!tpu.dma_semaphore, #tpu.memory_space<semaphore_mem>>
        %dma_start3A_45 = arith.constant 0 : i32
        %dma_start3A_46 = arith.constant 0 : i32
        %dma_start3A_47 = tpu.memref_slice %arg11[%dma_start3A_45, %dma_start3A_46] : memref<10240x128xf32, #tpu.memory_space<vmem_shared>> -> memref<10240x128xf32, #tpu.memory_space<vmem_shared>>
        tpu.enqueue_indirect_dma source(%arg10 : memref<80x128xf32, #tpu.memory_space<vmem>>) target(%dma_start3A_47 : memref<10240x128xf32, #tpu.memory_space<vmem_shared>>) offsets(%arg8 : memref<80xi32, #tpu.memory_space<vmem>>) semaphore(%run_scoped3A : memref<!tpu.dma_semaphore, #tpu.memory_space<semaphore_mem>>) {add = true}
        %dma_wait3A_48 = arith.constant 0 : i32
        %dma_wait3A_49 = arith.constant 0 : i32
        %dma_wait3A_50 = tpu.memref_slice %arg11[%dma_wait3A_48, %dma_wait3A_49] : memref<10240x128xf32, #tpu.memory_space<vmem_shared>> -> memref<10240x128xf32, #tpu.memory_space<vmem_shared>>
        tpu.wait_indirect_dma semaphore(%run_scoped3A : memref<!tpu.dma_semaphore, #tpu.memory_space<semaphore_mem>>) src(%arg10 : memref<80x128xf32, #tpu.memory_space<vmem>>) dst(%dma_wait3A_50 : memref<10240x128xf32, #tpu.memory_space<vmem_shared>>)
        tpu.yield
      }) : () -> ()
      %scan3A_44 = arith.constant 0 : i32
      scf.yield %scan3A_44 : i32
    }
    %scan3A_20 = arith.constant 125 : i32
    %barrier3A_21 = arith.constant 0 : index
    tpu.barrier barrier_id(%barrier3A_21)
    %mul3A_22 = arith.constant 640 : i32
    %mul3A_23 = arith.muli %arg1, %mul3A_22 : i32
    %mul3A_24 = arith.constant 640 : i32
    %mul3A_25 = arith.muli %arg1, %mul3A_24 : i32
    "tpu.region"() ({
      %run_scoped3A = tpu.sem_alloc : memref<!tpu.dma_semaphore, #tpu.memory_space<semaphore_mem>>
      %dma_start3A = arith.constant 0 : i32
      %dma_start3A_26 = tpu.memref_slice %arg6[%arg0, %mul3A_25, %dma_start3A] : memref<2x10240x128xf32, #tpu.memory_space<hbm>> -> memref<1x640x128xf32, #tpu.memory_space<hbm>>
      %dma_start3A_27 = tpu.memref_squeeze %dma_start3A_26 : memref<1x640x128xf32, #tpu.memory_space<hbm>> -> memref<640x128xf32, #tpu.memory_space<hbm>>
      %dma_start3A_28 = arith.constant 0 : i32
      %dma_start3A_29 = tpu.memref_slice %arg11[%mul3A_23, %dma_start3A_28] : memref<10240x128xf32, #tpu.memory_space<vmem_shared>> -> memref<640x128xf32, #tpu.memory_space<vmem_shared>>
      tpu.enqueue_dma source(%dma_start3A_29 : memref<640x128xf32, #tpu.memory_space<vmem_shared>>) target(%dma_start3A_27 : memref<640x128xf32, #tpu.memory_space<hbm>>) target_semaphore(%run_scoped3A : memref<!tpu.dma_semaphore, #tpu.memory_space<semaphore_mem>>)
      %dma_wait3A = arith.constant 0 : i32
      %dma_wait3A_30 = tpu.memref_slice %arg6[%arg0, %mul3A_25, %dma_wait3A] : memref<2x10240x128xf32, #tpu.memory_space<hbm>> -> memref<1x640x128xf32, #tpu.memory_space<hbm>>
      %dma_wait3A_31 = tpu.memref_squeeze %dma_wait3A_30 : memref<1x640x128xf32, #tpu.memory_space<hbm>> -> memref<640x128xf32, #tpu.memory_space<hbm>>
      %dma_wait3A_32 = arith.constant 0 : i32
      %dma_wait3A_33 = tpu.memref_slice %arg11[%mul3A_23, %dma_wait3A_32] : memref<10240x128xf32, #tpu.memory_space<vmem_shared>> -> memref<640x128xf32, #tpu.memory_space<vmem_shared>>
      tpu.wait_dma2 semaphore(%run_scoped3A : memref<!tpu.dma_semaphore, #tpu.memory_space<semaphore_mem>>) src(%dma_wait3A_33 : memref<640x128xf32, #tpu.memory_space<vmem_shared>>) dst(%dma_wait3A_31 : memref<640x128xf32, #tpu.memory_space<hbm>>)
      tpu.yield
    }) : () -> ()
    return
  }
}

module attributes {stable_mosaic.version = 14 : i64} {
  func.func @_lin1_body(%arg0: memref<10000x128xf32, #tpu.memory_space<vmem>>, %arg1: memref<128x128xf32, #tpu.memory_space<vmem>>, %arg2: memref<10000x128xf32, #tpu.memory_space<vmem>>) attributes {dimension_semantics = [], scalar_prefetch = 0 : i64, scratch_operands = 0 : i64, tpu.core_type = #tpu.core_type<tc>} {
    %get3A = arith.constant 0 : index
    %get3A_0 = arith.constant 0 : index
    %get3A_1 = vector.load %arg0[%get3A, %get3A_0] : memref<10000x128xf32, #tpu.memory_space<vmem>>, vector<10000x128xf32>
    %get3A_2 = arith.constant 0 : index
    %get3A_3 = arith.constant 0 : index
    %get3A_4 = vector.load %arg1[%get3A_2, %get3A_3] : memref<128x128xf32, #tpu.memory_space<vmem>>, vector<128x128xf32>
    %dot_general3A = arith.constant dense<0.000000e+00> : vector<10000x128xf32>
    %dot_general3A_5 = tpu.matmul %get3A_1, %get3A_4, %dot_general3A {dimension_numbers = #tpu.dot_dimension_numbers<[1], [0], [0], [1], [0, 0, 1, 1], [], []>, transpose_lhs_hint = false} : vector<10000x128xf32>, vector<128x128xf32>, vector<10000x128xf32> -> vector<10000x128xf32>
    %swap3A = arith.constant 0 : index
    %swap3A_6 = arith.constant 0 : index
    %swap3A_7 = vector.load %arg2[%swap3A, %swap3A_6] : memref<10000x128xf32, #tpu.memory_space<vmem>>, vector<10000x128xf32>
    tpu.vector_store %arg2[%swap3A, %swap3A_6], %dot_general3A_5 {strides = array<i32>} : memref<10000x128xf32, #tpu.memory_space<vmem>>, vector<10000x128xf32>,
    return
  }
}

module attributes {stable_mosaic.version = 14 : i64} {
  func.func @_filter_body(%arg0: i32, %arg1: memref<4000x16xf32, #tpu.memory_space<vmem>>, %arg2: memref<4000x1xf32, #tpu.memory_space<vmem>>, %arg3: memref<16x128xf32, #tpu.memory_space<vmem>>, %arg4: memref<1x128xf32, #tpu.memory_space<vmem>>, %arg5: memref<128x128xf32, #tpu.memory_space<vmem>>, %arg6: memref<1x128xf32, #tpu.memory_space<vmem>>, %arg7: memref<4000x128xf32, #tpu.memory_space<vmem>>) attributes {dimension_semantics = [#tpu.dimension_semantics<arbitrary>], iteration_bounds = array<i64: 80>, scalar_prefetch = 0 : i64, scratch_operands = 0 : i64, tpu.core_type = #tpu.core_type<tc>, window_params = [{transform_indices = @transform_0, window_bounds = array<i64: 4000, 16>}, {transform_indices = @transform_1, window_bounds = array<i64: 4000, 1>}, {pipeline_mode = #tpu.pipeline_mode<synchronous>, transform_indices = @transform_2, window_bounds = array<i64: 16, 128>}, {pipeline_mode = #tpu.pipeline_mode<synchronous>, transform_indices = @transform_3, window_bounds = array<i64: 1, 128>}, {pipeline_mode = #tpu.pipeline_mode<synchronous>, transform_indices = @transform_4, window_bounds = array<i64: 128, 128>}, {pipeline_mode = #tpu.pipeline_mode<synchronous>, transform_indices = @transform_5, window_bounds = array<i64: 1, 128>}, {transform_indices = @transform_6, window_bounds = array<i64: 4000, 128>}]} {
    %get3A = arith.constant 0 : index
    %get3A_0 = arith.constant 0 : index
    %get3A_1 = vector.load %arg1[%get3A, %get3A_0] : memref<4000x16xf32, #tpu.memory_space<vmem>>, vector<4000x16xf32>
    %get3A_2 = arith.constant 0 : index
    %get3A_3 = arith.constant 0 : index
    %get3A_4 = vector.load %arg3[%get3A_2, %get3A_3] : memref<16x128xf32, #tpu.memory_space<vmem>>, vector<16x128xf32>
    %dot_general3A = arith.constant dense<0.000000e+00> : vector<4000x128xf32>
    %dot_general3A_5 = tpu.matmul %get3A_1, %get3A_4, %dot_general3A {dimension_numbers = #tpu.dot_dimension_numbers<[1], [0], [0], [1], [0, 0, 1, 1], [], []>, transpose_lhs_hint = false} : vector<4000x16xf32>, vector<16x128xf32>, vector<4000x128xf32> -> vector<4000x128xf32>
    %get3A_6 = arith.constant 0 : index
    %get3A_7 = arith.constant 0 : index
    %get3A_8 = vector.load %arg4[%get3A_6, %get3A_7] : memref<1x128xf32, #tpu.memory_space<vmem>>, vector<1x128xf32>
    %add3A = vector.broadcast %get3A_8 : vector<1x128xf32> to vector<4000x128xf32>
    %add3A_9 = arith.addf %dot_general3A_5, %add3A : vector<4000x128xf32>
    %max3A = arith.constant 0.000000e+00 : f32
    %max3A_10 = vector.broadcast %max3A : f32 to vector<4000x128xf32>
    %max3A_11 = arith.maximumf %add3A_9, %max3A_10 : vector<4000x128xf32>
    %abs3A = math.absf %add3A_9 : vector<4000x128xf32>
    %neg3A = arith.constant 0.000000e+00 : f32
    %neg3A_12 = vector.broadcast %neg3A : f32 to vector<4000x128xf32>
    %neg3A_13 = arith.subf %neg3A_12, %abs3A : vector<4000x128xf32>
    %exp3A = math.exp %neg3A_13 : vector<4000x128xf32>
    %add3A_14 = arith.constant 1.000000e+00 : f32
    %add3A_15 = vector.broadcast %add3A_14 : f32 to vector<4000x128xf32>
    %add3A_16 = arith.addf %add3A_15, %exp3A : vector<4000x128xf32>
    %log3A = math.log %add3A_16 : vector<4000x128xf32>
    %add3A_17 = arith.addf %max3A_11, %log3A : vector<4000x128xf32>
    %sub3A = arith.constant 0.693147182 : f32
    %sub3A_18 = vector.broadcast %sub3A : f32 to vector<4000x128xf32>
    %sub3A_19 = arith.subf %add3A_17, %sub3A_18 : vector<4000x128xf32>
    %get3A_20 = arith.constant 0 : index
    %get3A_21 = arith.constant 0 : index
    %get3A_22 = vector.load %arg5[%get3A_20, %get3A_21] : memref<128x128xf32, #tpu.memory_space<vmem>>, vector<128x128xf32>
    %dot_general3A_23 = arith.constant dense<0.000000e+00> : vector<4000x128xf32>
    %dot_general3A_24 = tpu.matmul %sub3A_19, %get3A_22, %dot_general3A_23 {dimension_numbers = #tpu.dot_dimension_numbers<[1], [0], [0], [1], [0, 0, 1, 1], [], []>, transpose_lhs_hint = false} : vector<4000x128xf32>, vector<128x128xf32>, vector<4000x128xf32> -> vector<4000x128xf32>
    %get3A_25 = arith.constant 0 : index
    %get3A_26 = arith.constant 0 : index
    %get3A_27 = vector.load %arg6[%get3A_25, %get3A_26] : memref<1x128xf32, #tpu.memory_space<vmem>>, vector<1x128xf32>
    %add3A_28 = vector.broadcast %get3A_27 : vector<1x128xf32> to vector<4000x128xf32>
    %add3A_29 = arith.addf %dot_general3A_24, %add3A_28 : vector<4000x128xf32>
    %get3A_30 = arith.constant 0 : index
    %get3A_31 = arith.constant 0 : index
    %get3A_32 = vector.load %arg2[%get3A_30, %get3A_31] : memref<4000x1xf32, #tpu.memory_space<vmem>>, vector<4000x1xf32>
    %mul3A = arith.constant 0.314159274 : f32
    %mul3A_33 = vector.broadcast %mul3A : f32 to vector<4000x1xf32>
    %mul3A_34 = arith.mulf %get3A_32, %mul3A_33 : vector<4000x1xf32>
    %cos3A = math.cos %mul3A_34 : vector<4000x1xf32>
    %add3A_35 = arith.constant 1.000000e+00 : f32
    %add3A_36 = vector.broadcast %add3A_35 : f32 to vector<4000x1xf32>
    %add3A_37 = arith.addf %cos3A, %add3A_36 : vector<4000x1xf32>
    %mul3A_38 = arith.constant 5.000000e-01 : f32
    %mul3A_39 = vector.broadcast %mul3A_38 : f32 to vector<4000x1xf32>
    %mul3A_40 = arith.mulf %mul3A_39, %add3A_37 : vector<4000x1xf32>
    %mul3A_41 = vector.broadcast %mul3A_40 : vector<4000x1xf32> to vector<4000x128xf32>
    %mul3A_42 = arith.mulf %add3A_29, %mul3A_41 : vector<4000x128xf32>
    %swap3A = arith.constant 0 : index
    %swap3A_43 = arith.constant 0 : index
    %swap3A_44 = vector.load %arg7[%swap3A, %swap3A_43] : memref<4000x128xf32, #tpu.memory_space<vmem>>, vector<4000x128xf32>
    tpu.vector_store %arg7[%swap3A, %swap3A_43], %mul3A_42 {strides = array<i32>} : memref<4000x128xf32, #tpu.memory_space<vmem>>, vector<4000x128xf32>,
    return
  }
  func.func @transform_0(%arg0: i32) -> (i32, i32) {
    %c0_i32 = arith.constant 0 : i32
    %c0_i32_0 = arith.constant 0 : i32
    return %arg0, %c0_i32 : i32, i32
  }
  func.func @transform_1(%arg0: i32) -> (i32, i32) {
    %c0_i32 = arith.constant 0 : i32
    %c0_i32_0 = arith.constant 0 : i32
    return %arg0, %c0_i32 : i32, i32
  }
  func.func @transform_2(%arg0: i32) -> (i32, i32) {
    %c0_i32 = arith.constant 0 : i32
    %c0_i32_0 = arith.constant 0 : i32
    %c0_i32_1 = arith.constant 0 : i32
    return %c0_i32, %c0_i32_0 : i32, i32
  }
  func.func @transform_3(%arg0: i32) -> (i32, i32) {
    %c0_i32 = arith.constant 0 : i32
    %c0_i32_0 = arith.constant 0 : i32
    %c0_i32_1 = arith.constant 0 : i32
    return %c0_i32, %c0_i32_0 : i32, i32
  }
  func.func @transform_4(%arg0: i32) -> (i32, i32) {
    %c0_i32 = arith.constant 0 : i32
    %c0_i32_0 = arith.constant 0 : i32
    %c0_i32_1 = arith.constant 0 : i32
    return %c0_i32, %c0_i32_0 : i32, i32
  }
  func.func @transform_5(%arg0: i32) -> (i32, i32) {
    %c0_i32 = arith.constant 0 : i32
    %c0_i32_0 = arith.constant 0 : i32
    %c0_i32_1 = arith.constant 0 : i32
    return %c0_i32, %c0_i32_0 : i32, i32
  }
  func.func @transform_6(%arg0: i32) -> (i32, i32) {
    %c0_i32 = arith.constant 0 : i32
    %c0_i32_0 = arith.constant 0 : i32
    return %arg0, %c0_i32 : i32, i32
  }
}

module attributes {stable_mosaic.version = 14 : i64} {
  func.func @_final_body(%arg0: memref<10000x128xf32, #tpu.memory_space<vmem>>, %arg1: memref<10000x128xf32, #tpu.memory_space<vmem>>, %arg2: memref<128x128xf32, #tpu.memory_space<vmem>>, %arg3: memref<1x128xf32, #tpu.memory_space<vmem>>, %arg4: memref<128x128xf32, #tpu.memory_space<vmem>>, %arg5: memref<1x128xf32, #tpu.memory_space<vmem>>, %arg6: memref<10000x128xf32, #tpu.memory_space<vmem>>) attributes {dimension_semantics = [], scalar_prefetch = 0 : i64, scratch_operands = 0 : i64, tpu.core_type = #tpu.core_type<tc>} {
    %get3A = arith.constant 0 : index
    %get3A_0 = arith.constant 0 : index
    %get3A_1 = vector.load %arg0[%get3A, %get3A_0] : memref<10000x128xf32, #tpu.memory_space<vmem>>, vector<10000x128xf32>
    %get3A_2 = arith.constant 0 : index
    %get3A_3 = arith.constant 0 : index
    %get3A_4 = vector.load %arg1[%get3A_2, %get3A_3] : memref<10000x128xf32, #tpu.memory_space<vmem>>, vector<10000x128xf32>
    %add3A = arith.addf %get3A_1, %get3A_4 : vector<10000x128xf32>
    %get3A_5 = arith.constant 0 : index
    %get3A_6 = arith.constant 0 : index
    %get3A_7 = vector.load %arg2[%get3A_5, %get3A_6] : memref<128x128xf32, #tpu.memory_space<vmem>>, vector<128x128xf32>
    %dot_general3A = arith.constant dense<0.000000e+00> : vector<10000x128xf32>
    %dot_general3A_8 = tpu.matmul %add3A, %get3A_7, %dot_general3A {dimension_numbers = #tpu.dot_dimension_numbers<[1], [0], [0], [1], [0, 0, 1, 1], [], []>, transpose_lhs_hint = false} : vector<10000x128xf32>, vector<128x128xf32>, vector<10000x128xf32> -> vector<10000x128xf32>
    %get3A_9 = arith.constant 0 : index
    %get3A_10 = arith.constant 0 : index
    %get3A_11 = vector.load %arg3[%get3A_9, %get3A_10] : memref<1x128xf32, #tpu.memory_space<vmem>>, vector<1x128xf32>
    %add3A_12 = vector.broadcast %get3A_11 : vector<1x128xf32> to vector<10000x128xf32>
    %add3A_13 = arith.addf %dot_general3A_8, %add3A_12 : vector<10000x128xf32>
    %tanh3A = math.tanh %add3A_13 : vector<10000x128xf32>
    %get3A_14 = arith.constant 0 : index
    %get3A_15 = arith.constant 0 : index
    %get3A_16 = vector.load %arg4[%get3A_14, %get3A_15] : memref<128x128xf32, #tpu.memory_space<vmem>>, vector<128x128xf32>
    %dot_general3A_17 = arith.constant dense<0.000000e+00> : vector<10000x128xf32>
    %dot_general3A_18 = tpu.matmul %tanh3A, %get3A_16, %dot_general3A_17 {dimension_numbers = #tpu.dot_dimension_numbers<[1], [0], [0], [1], [0, 0, 1, 1], [], []>, transpose_lhs_hint = false} : vector<10000x128xf32>, vector<128x128xf32>, vector<10000x128xf32> -> vector<10000x128xf32>
    %get3A_19 = arith.constant 0 : index
    %get3A_20 = arith.constant 0 : index
    %get3A_21 = vector.load %arg5[%get3A_19, %get3A_20] : memref<1x128xf32, #tpu.memory_space<vmem>>, vector<1x128xf32>
    %add3A_22 = vector.broadcast %get3A_21 : vector<1x128xf32> to vector<10000x128xf32>
    %add3A_23 = arith.addf %dot_general3A_18, %add3A_22 : vector<10000x128xf32>
    %swap3A = arith.constant 0 : index
    %swap3A_24 = arith.constant 0 : index
    %swap3A_25 = vector.load %arg6[%swap3A, %swap3A_24] : memref<10000x128xf32, #tpu.memory_space<vmem>>, vector<10000x128xf32>
    tpu.vector_store %arg6[%swap3A, %swap3A_24], %add3A_23 {strides = array<i32>} : memref<10000x128xf32, #tpu.memory_space<vmem>>, vector<10000x128xf32>,
    return
  }
}

</mosaic_0001>

<sc_bundles>
// kernel: kernel.6.cloned.1.call-start
scs
__scs_entry_jumppad:
0x0: {  	(pc) =	sbr.rel $0x88, $3  }
0x1: {  	(tag) =	ssettag $0x0;
	lr =	simm.s32 $0x1  }
0x2: {  	[smem:$0x3F94] =	sst lr;
	_ =	strace $0xD0000000  }
0x3: {  	_ = 	snop  }
0x4: {  	_ = 	snop  }
0x5: {  	_ = 	snop  }
0x6: {  	_ = 	snop  }
0x7: {  	_ = 	snop  }
__scs_overlays_trampoline_lowered:
0x8: {  	[smem:$0x3FA3] =	sst s0  }
0x9: {  	[smem:$0x3FA4] =	sst s1  }
0xa: {  	[smem:$0x3FA5] =	sst s2  }
0xb: {  	[smem:$0x3FA6] =	sst s3  }
0xc: {  	[smem:$0x3FA7] =	sst s4  }
0xd: {  	[smem:$0x3FA8] =	sst s5  }
0xe: {  	[smem:$0x3FA9] =	sst s6  }
0xf: {  	[smem:$0x3FAA] =	sst s7  }
0x10: {  	[smem:$0x3FAB] =	sst s8  }
0x11: {  	[smem:$0x3FAC] =	sst s9;
	s0 =	simm.s32 @!p0 $0x0  }
0x12: {  	s1 =	sld [smem:$0x3F92];
	s0 =	simm.s32 @p0 $0x1  }
0x13: {  	[smem:$0x3FAD] =	sst s0;
	s0 =	simm.s32 @!p1 $0x0  }
0x14: {  	s2 =	sld [smem:$0x3F91];
	s0 =	simm.s32 @p1 $0x1  }
0x15: {  	[smem:$0x3FAE] =	sst s0;
	s0 =	simm.s32 @!p2 $0x0  }
0x16: {  	s3 =	sld [smem:$0x3FDB];
	s0 =	simm.s32 @p2 $0x1  }
0x17: {  	s4 =	simm.s32 $0x1BF5;
	[smem:$0x3FB0] =	sst s0  }
0x18: {  	s0 =	sld [smem:$0x3F93];
	_ =	swait.ge [sflag:s4], $0x0  }
0x19: {  	s7 =	sld [smem:$0x3F94]  }
0x1a: {  	s8 =	sadd.s32 $0xFFFFE003, lr  }
0x1b: {  	s9 =	sadd.s32 $0xFFFFFEF7, lr;
	s5 =	simm.s32 $0xFFFFFFFF;
	p2 =	slt.u32 s8, $0xFFFFF086  }
0x1c: {  	p1 =	slt.u32 s9, $0xF7A;
	s5 =	simm.s32 @!p2 $0x0  }
0x1d: {  	s5 =	simm.s32 @p1 $0x1;
	p0 =	seq.s32 s7, s2  }
0x1e: {  	s7 =	smul.u32 @!p0 $0xF7A, s2;
	p2 =	seq.s32 @!p0 s5, $0x0  }
0x1f: {  	s9 =	smul.u32 $0xF7A, s1;
	s8 =	simm.s32 @!p0 $0x1BF5;
	p2 =	por !p2, p0  }
0x20: {  	[sflag:s8] =	ssyncset.s32 @!p0 $0xFFFFF086;
	s6 =	sadd.s32 @!p0 s3, s7;
	s7 =	simm.s32 @!p0 $0x108  }
0x21: {  	s3 =	sadd.s32 s3, s9;
	s6 =	sadd.s32 @!p0 $0x88, s6;
	s7 =	simm.s32 @p2 $0x1082  }
0x22: {  	[simem:s7], [sflag:s8] =	dma.local @!p0 [hbm:s6], $0xF7A  }
0x23: {  	s9 =	sor.u32 $0xD0000000, s2;
	s6 =	simm.s32 $0x108;
	_ =	swait.ge @!p0 [sflag:s8], $0x0  }
0x24: {  	s3 =	sadd.s32 $0x88, s3;
	s6 =	simm.s32 @!p1 $0x1082;
	[sflag:s4] =	ssyncset.s32 $0xFFFFF086  }
0x25: {  	[simem:s6], [sflag:s4] =	dma.local [hbm:s3], $0xF7A  }
0x26: {  	[smem:$0x3F94] =	sst s1;
	(tag) =	ssettag s2;
	_ =	strace s9  }
0x27: {  	s1 =	sld [smem:$0x3FA4]  }
0x28: {  	s2 =	sld [smem:$0x3FA5]  }
0x29: {  	s4 =	sld [smem:$0x3FA7]  }
0x2a: {  	p0 =	seq.s32 s5, $0x0;
	s5 =	sld [smem:$0x3FA8]  }
0x2b: {  	s6 =	sld [smem:$0x3FA9]  }
0x2c: {  	s7 =	sld [smem:$0x3FAA]  }
0x2d: {  	s3 =	simm.s32 $0x108;
	s8 =	sld [smem:$0x3FAB]  }
0x2e: {  	s3 =	simm.s32 @!p0 $0x1082;
	s9 =	sld [smem:$0x3FAC]  }
0x2f: {  	lr =	sadd.s32 s0, s3;
	s0 =	sld [smem:$0x3FA3]  }
0x30: {  	s3 =	sld [smem:$0x3FA6]  }
0x31: {  	[smem:$0x3FAF] =	sst s10  }
0x32: {  	s10 =	sld [smem:$0x3FAD];
	_ =	sdelay $0x3  }
0x33: {  	p0 =	seq.s32 s10, $0x1;
	s10 =	sld [smem:$0x3FAF];
	_ =	sdelay $0x3  }
0x34: {  	[smem:$0x3FAF] =	sst s10  }
0x35: {  	s10 =	sld [smem:$0x3FAE];
	_ =	sdelay $0x3  }
0x36: {  	p1 =	seq.s32 s10, $0x1;
	s10 =	sld [smem:$0x3FAF];
	_ =	sdelay $0x3  }
0x37: {  	[smem:$0x3FAF] =	sst s10  }
0x38: {  	s10 =	sld [smem:$0x3FB0]  }
0x39: {  	_ = 	snop;
	(pc) =	sbr.ind lr, $3  }
0x3a: {  	_ = 	snop  }
0x3b: {  	_ = 	snop  }
0x3c: {  	p2 =	seq.s32 s10, $0x1;
	s10 =	sld [smem:$0x3FAF]  }
0x3d: {  	_ =	shalt  }
0x3e: {  	_ =	shalt  }
0x3f: {  	_ =	shalt  }
0x40: {  	_ =	shalt  }
0x41: {  	_ =	shalt  }
0x42: {  	_ =	shalt  }
0x43: {  	_ =	shalt  }
0x44: {  	_ =	shalt  }
0x45: {  	_ =	shalt  }
0x46: {  	_ =	shalt  }
0x47: {  	_ =	shalt  }
0x48: {  	_ =	shalt  }
0x49: {  	_ =	shalt  }
0x4a: {  	_ =	shalt  }
0x4b: {  	_ =	shalt  }
0x4c: {  	_ =	shalt  }
0x4d: {  	_ =	shalt  }
0x4e: {  	_ =	shalt  }
0x4f: {  	_ =	shalt  }
0x50: {  	_ =	shalt  }
0x51: {  	_ =	shalt  }
0x52: {  	_ =	shalt  }
0x53: {  	_ =	shalt  }
0x54: {  	_ =	shalt  }
0x55: {  	_ =	shalt  }
0x56: {  	_ =	shalt  }
0x57: {  	_ =	shalt  }
0x58: {  	_ =	shalt  }
0x59: {  	_ =	shalt  }
0x5a: {  	_ =	shalt  }
0x5b: {  	_ =	shalt  }
0x5c: {  	_ =	shalt  }
0x5d: {  	_ =	shalt  }
0x5e: {  	_ =	shalt  }
0x5f: {  	_ =	shalt  }
0x60: {  	_ =	shalt  }
0x61: {  	_ =	shalt  }
0x62: {  	_ =	shalt  }
0x63: {  	_ =	shalt  }
0x64: {  	_ =	shalt  }
0x65: {  	_ =	shalt  }
0x66: {  	_ =	shalt  }
0x67: {  	_ =	shalt  }
0x68: {  	_ =	shalt  }
0x69: {  	_ =	shalt  }
0x6a: {  	_ =	shalt  }
0x6b: {  	_ =	shalt  }
0x6c: {  	_ =	shalt  }
0x6d: {  	_ =	shalt  }
0x6e: {  	_ =	shalt  }
0x6f: {  	_ =	shalt  }
0x70: {  	_ =	shalt  }
0x71: {  	_ =	shalt  }
0x72: {  	_ =	shalt  }
0x73: {  	_ =	shalt  }
0x74: {  	_ =	shalt  }
0x75: {  	_ =	shalt  }
0x76: {  	_ =	shalt  }
0x77: {  	_ =	shalt  }
0x78: {  	_ =	shalt  }
0x79: {  	_ =	shalt  }
0x7a: {  	_ =	shalt  }
0x7b: {  	_ =	shalt  }
0x7c: {  	_ =	shalt  }
0x7d: {  	_ =	shalt  }
0x7e: {  	_ =	shalt  }
0x7f: {  	_ =	shalt  }
0x80: {  	_ =	shalt  }
0x81: {  	_ =	shalt  }
0x82: {  	_ =	shalt  }
0x83: {  	_ =	shalt  }
0x84: {  	_ =	shalt  }
0x85: {  	_ =	shalt  }
0x86: {  	_ =	shalt  }
0x87: {  	_ =	shalt  }
.Lfunc_end0:
.L_simem_size_0:
called_computation_lowered:
.L_overlay_start_0:
0x88: {  	s2 =	sld [smem:$0x3FD9]  }
0x89: {  	s3 =	sld [smem:$0x3FFE];
	_ =	sdelay $0x1  }
0x8a: {  	s1 =	srdreg.scid  }
0x8b: {  	s0 =	sand.u32 $0x1, s1  }
0x8c: {  	s17 =	sshll.u32 s0, $0xA;
	s2 =	sadd.s32 s3, s2  }
0x8d: {  	s2 =	sadd.s32 s2, s17  }
0x8e: {  	[smem:$0x3FBB] =	sst s2  }
0x8f: {  	_ = 	snop  }
0x90: {  	s2 =	sld [smem:$0x3FD0];
	(tm) =	ssettm $0x1  }
0x91: {  	s18 =	sld [smem:$0x3FFB];
	_ =	sdelay $0x3  }
0x92: {  	_ =	strace s18  }
0x93: {  	s3 =	sld [smem:$0x3FFC];
	_ =	sdelay $0x3  }
0x94: {  	_ =	strace s3  }
0x95: {  	s3 =	sld [smem:$0x3FFD];
	_ =	sdelay $0x3  }
0x96: {  	_ =	strace s3  }
0x97: {  	_ =	strace $0x8FFFFFFF  }
0x98: {  	s19 =	sld [smem:$0x3FDB];
	_ =	sdelay $0x1  }
0x99: {  	s4 =	simm.s32 $_scs_section_size  }
0x9a: {  	s5 =	simm.s32 $_size__tile_overlayer_lowered;
	s6 =	simm.s32 $_tile_overlayer_lowered  }
0x9b: {  	s22 =	simm.s32 $0x1BFF;
	s21 =	sshll.u32 s6, $0x1;
	s3 =	sadd.s32 s4, s19  }
0x9c: {  	s7 =	simm.s32 $0x0;
	s20 =	sshll.u32 s5, $0x1;
	s5 =	sadd.s32 s21, s3  }
0x9d: {  	[timem:s7], [sflag:s22] =	dma.local [hbm:s5], s20  }
0x9e: {  	_ =	swait.ge [sflag:s22], s20  }
0x9f: {  	s4 =	ssub.s32 $0x0, s20;
	[sflag:s22] =	ssyncset.done $0x0  }
0xa0: {  	[sflag:s22] =	ssyncadd.s32 s4;
	_ =	sdelay $0x1  }
0xa1: {  	s23 =	simm.s32 $0x1B8B  }
0xa2: {  	_ =	swait.ge [sflag:s23], $0x1  }
0xa3: {  	[sflag:s23] =	ssyncset.done $0x0  }
0xa4: {  	s25 =	simm.s32 $0x1B8E;
	s24 =	sld [smem:$0x3FFE];
	[sflag:s23] =	ssyncadd.s32 $0xFFFFFFFF  }
0xa5: {  	s26 =	simm.s32 $execute0_lowered;
	[smem:$0x3FD2] =	sst s25  }
0xa6: {  	s5 =	sshll.u32 s26, $0x1;
	_ =	strace $0x80000046;
	[dreg:$0x1] =	wrdreg $0xFFFFFFFF  }
0xa7: {  	s28 =	simm.s32 $_size_execute0_lowered;
	s3 =	sadd.s32 s3, s5;
	[dreg:$0x0] =	wrdreg $0x0  }
0xa8: {  	s5 =	sshll.u32 s28, $0x1;
	[dreg:$0x2] =	wrdreg s3  }
0xa9: {  	[dreg:$0x3] =	wrdreg s5  }
0xaa: {  	[dreg:$0x4] =	wrdreg $0xC0  }
0xab: {  	_ =	task [dreg:s7], $0x5FFFF  }
0xac: {  	[dreg:$0x1] =	wrdreg $0xFFFFFFFF  }
0xad: {  	[dreg:$0x0] =	wrdreg $0x60  }
0xae: {  	[dreg:$0x2] =	wrdreg s2  }
0xaf: {  	[dreg:$0x3] =	wrdreg s24  }
0xb0: {  	[dreg:$0x4] =	wrdreg $0x51000  }
0xb1: {  	[dreg:$0x5] =	wrdreg $0x9  }
0xb2: {  	_ =	task.clear_ibuf [dreg:s7], $0x6FFFF;
	_ =	strace $0x90000046  }
0xb3: {  	s29 =	simm.s32 $0x9;
	_ =	strace $0x80000048  }
0xb4: {  	_ =	swait.ge [sflag:s29], $0x1  }
0xb5: {  	[sflag:s29] =	ssyncadd.s32 $0xFFFFFFFF  }
0xb6: {  	_ =	strace $0x90000048  }
0xb7: {  	_ =	sfence  }
0xb8: {  	s30 =	sld [smem:$0x0];
	_ =	sdelay $0x2  }
0xb9: {  	s31 =	sshll.u32 s1, $0xD;
	s1 =	sshrl.u32 s1, $0x2  }
0xba: {  	s3 =	sand.u32 $0x4000, s31;
	s1 =	sadd.s32 s1, s30  }
0xbb: {  	s0 =	sor.u32 s3, s0;
	s1 =	sshll.u32 s1, $0x11  }
0xbc: {  	s0 =	sor.u32 s1, s0  }
0xbd: {  	s0 =	sadd.s32 $0x8F2B, s0  }
0xbe: {  	[sflag:s0] =	ssyncadd.remote.s32 $0x1  }
0xbf: {  	_ =	sfence.sel $0xFFFF  }
0xc0: {  	[dreg:$0x0] =	wrdreg $0xFFFFFFFF;
	(pc) =	sbr.abs _section_cstart, $3  }
0xc1: {  	[dreg:$0x1] =	wrdreg $0xFFFFFFFF  }
0xc2: {  	_ =	task.clear_ibuf [dreg:s7], $0x2FFFF;
	_ =	strace $0x9FFFFFFF  }
0xc3: {  	(tm) =	ssettm $0x7FFFFFFF  }
tec
execute0_lowered:
.L_overlay_start_1:
0x0: {  	(tag) =	ssettag $0x1  }
0x1: {  	s1 =	rddreg [dreg:$0x0]  }
0x2: {  	s8 =	rddreg [dreg:$0x1]  }
0x3: {  	s2 =	rddreg [dreg:$0x2]  }
0x4: {  	s3 =	srdreg.scid;
	s0 =	rddreg [dreg:$0x3];
	s4 =	simm.s32 $0x0  }
0x5: {  	s19 =	simm.s32 $0x2900;
	s20 =	simm.s32 $0x2;
	s21 =	simm.s32 $0x80  }
0x6: {  	s22 =	simm.s32 $0x100;
	s23 =	simm.s32 $0x50;
	s24 =	simm.s32 $0x1  }
0x7: {  	s9 =	sand.u32 $0x1, s3;
	s3 =	stileid.u32;
	[smem:$0x7FF] =	sst s4  }
0x8: {  	s5 =	sadd.s32 $0x9D9800, s8;
	s6 =	sadd.s32 $0xBA00, s8;
	s7 =	smul.u32 $0x140000, s9  }
0x9: {  	s10 =	smul.u32 $0x14000, s3;
	_ =	strace $0x80000047;
	s30 =	ssub.s32 $0x2, s9  }
0xa: {  	s11 =	smul.u32 $0x50000, s3;
	s12 =	sshll.u32 s3, $0x1;
	s13 =	sshrl.u32 s30, $0x1  }
0xb: {  	s9 =	sor.u32 s9, s12;
	s10 =	sadd.s32 s10, s7;
	s7 =	sadd.s32 $0x1C00, s8  }
0xc: {  	s11 =	sshrl.u32 s11, $0x2;
	s31 =	ssub.s32 s30, s13;
	s10 =	sshrl.u32 s10, $0x3  }
0xd: {  	s10 =	sadd.s32 s10, s8;
	s8 =	smul.u32 $0x2710, s9;
	s9 =	sadd.s32 s11, s2  }
0xe: {  	s11 =	smax.u32 s31, $0x1;
	s10 =	sadd.s32 $0x15800, s10;
	s12 =	sadd.s32 $0x2800, s9  }
0xf: {  	s13 =	sadd.s32 $0x5000, s9;
	s14 =	sadd.s32 $0x7800, s9;
	s15 =	sadd.s32 $0xA000, s9  }
0x10: {  	v0 =	vimm.f32 $0.0e+00;
	s16 =	sadd.s32 $0xC800, s9;
	s17 =	sadd.s32 $0xF000, s9;
	s18 =	sadd.s32 $0x11800, s9  }
.LBB2_1:
0x11: {  	s25 =	simm.s32 $0x0;
	s26 =	simm.s32 $0x200  }
.LBB2_2:
0x12: {  	p0 =	sne.s32 s26, $0x9E00;
	[tilespmem:s25+$0x2970] =	vst v0  }
0x13: {  	[tilespmem:s25+$0x2900] =	vst v0  }
0x14: {  	[tilespmem:s25+$0x2910] =	vst v0  }
.Ltmp0:
0x15: {  	[tilespmem:s25+$0x2920] =	vst v0;
	(pc) =	sbr.rel @p0 .LBB2_2-.Ltmp0, $4  }
0x16: {  	[tilespmem:s25+$0x2930] =	vst v0  }
0x17: {  	[tilespmem:s25+$0x2940] =	vst v0  }
0x18: {  	[tilespmem:s25+$0x2950] =	vst v0  }
0x19: {  	[tilespmem:s25+$0x2960] =	vst v0;
	s25 =	sshra.s32 s26, $0x2;
	s26 =	sadd.s32 $0x200, s26  }
0x1a: {  	[tilespmem:s25+$0x2970] =	vst v0  }
0x1b: {  	[tilespmem:s25+$0x2900] =	vst v0  }
0x1c: {  	[tilespmem:s25+$0x2910] =	vst v0  }
0x1d: {  	[tilespmem:s25+$0x2920] =	vst v0  }
0x1e: {  	[tilespmem:s25+$0x2930] =	vst v0  }
0x1f: {  	[tilespmem:s25+$0x2940] =	vst v0  }
0x20: {  	[tilespmem:s25+$0x2950] =	vst v0  }
0x21: {  	[tilespmem:s25+$0x2960] =	vst v0  }
0x22: {  	[spmem:s9] =	stream.linear.scatter [tilespmem:s19], [sflag:$0x2], $0x2800, $0x38;
	[tilespmem:$0x19100] =	vst v63  }
0x23: {  	_ =	swait.ge [sflag:s20], $0x2800  }
0x24: {  	[sflag:s20] =	ssyncset.done $0x0  }
0x25: {  	[sflag:s20] =	ssyncadd.s32 $0xFFFFD800  }
0x26: {  	[spmem:s12] =	stream.linear.scatter [tilespmem:s19], [sflag:$0x2], $0x2800, $0x38;
	[tilespmem:$0x19100] =	vst v63  }
0x27: {  	_ =	swait.ge [sflag:s20], $0x2800  }
0x28: {  	[sflag:s20] =	ssyncset.done $0x0  }
0x29: {  	[sflag:s20] =	ssyncadd.s32 $0xFFFFD800  }
0x2a: {  	[spmem:s13] =	stream.linear.scatter [tilespmem:s19], [sflag:$0x2], $0x2800, $0x38;
	[tilespmem:$0x19100] =	vst v63  }
0x2b: {  	_ =	swait.ge [sflag:s20], $0x2800  }
0x2c: {  	[sflag:s20] =	ssyncset.done $0x0  }
0x2d: {  	[sflag:s20] =	ssyncadd.s32 $0xFFFFD800  }
0x2e: {  	[spmem:s14] =	stream.linear.scatter [tilespmem:s19], [sflag:$0x2], $0x2800, $0x38;
	[tilespmem:$0x19100] =	vst v63  }
0x2f: {  	_ =	swait.ge [sflag:s20], $0x2800  }
0x30: {  	[sflag:s20] =	ssyncset.done $0x0  }
0x31: {  	[sflag:s20] =	ssyncadd.s32 $0xFFFFD800  }
0x32: {  	[spmem:s15] =	stream.linear.scatter [tilespmem:s19], [sflag:$0x2], $0x2800, $0x38;
	[tilespmem:$0x19100] =	vst v63  }
0x33: {  	_ =	swait.ge [sflag:s20], $0x2800  }
0x34: {  	[sflag:s20] =	ssyncset.done $0x0  }
0x35: {  	[sflag:s20] =	ssyncadd.s32 $0xFFFFD800  }
0x36: {  	[spmem:s16] =	stream.linear.scatter [tilespmem:s19], [sflag:$0x2], $0x2800, $0x38;
	[tilespmem:$0x19100] =	vst v63  }
0x37: {  	_ =	swait.ge [sflag:s20], $0x2800  }
0x38: {  	[sflag:s20] =	ssyncset.done $0x0  }
0x39: {  	[sflag:s20] =	ssyncadd.s32 $0xFFFFD800  }
0x3a: {  	[spmem:s17] =	stream.linear.scatter [tilespmem:s19], [sflag:$0x2], $0x2800, $0x38;
	[tilespmem:$0x19100] =	vst v63  }
0x3b: {  	_ =	swait.ge [sflag:s20], $0x2800  }
0x3c: {  	[sflag:s20] =	ssyncset.done $0x0  }
0x3d: {  	[sflag:s20] =	ssyncadd.s32 $0xFFFFD800  }
0x3e: {  	[spmem:s18] =	stream.linear.scatter [tilespmem:s19], [sflag:$0x2], $0x2800, $0x38;
	[tilespmem:$0x19100] =	vst v63  }
0x3f: {  	_ =	swait.ge [sflag:s20], $0x2800  }
0x40: {  	[sflag:s20] =	ssyncset.done $0x0  }
0x41: {  	[sflag:s20] =	ssyncadd.s32 $0xFFFFD800  }
0x42: {  	s25 =	simm.s32 $0x0;
	s26 =	simm.s32 $0x0;
	[bflag:$0x0] =	sbarrier.arrive $0xFFFF  }
.LBB2_4:
0x43: {  	s28 =	smul.u32 $0x50, s26;
	_ =	sdelay $0x1  }
0x44: {  	s28 =	sadd.s32 s8, s28  }
0x45: {  	s29 =	sshrl.u32 s28, $0x3  }
0x46: {  	s30 =	sadd.s32 s6, s29  }
0x47: {  	[tilespmem:s25], [sflag:$0x2] =	stream.linear.gather [hbm4b:s30+s25], $0x50, $0x38;
	[tilespmem:$0x19100] =	vst v63  }
0x48: {  	_ =	swait.ge [sflag:s20], $0x50  }
0x49: {  	[sflag:s20] =	ssyncset.done $0x0  }
0x4a: {  	s29 =	sadd.s32 s7, s29;
	[sflag:s20] =	ssyncadd.s32 $0xFFFFFFB0  }
0x4b: {  	[tilespmem:s21], [sflag:$0x2] =	stream.linear.gather [hbm4b:s29+s25], $0x50, $0x38;
	[tilespmem:$0x19100] =	vst v63  }
0x4c: {  	_ =	swait.ge [sflag:s20], $0x50  }
0x4d: {  	s28 =	sshll.u32 s28, $0x4;
	[sflag:s20] =	ssyncset.done $0x0  }
0x4e: {  	s28 =	sadd.s32 s5, s28;
	[sflag:s20] =	ssyncadd.s32 $0xFFFFFFB0  }
0x4f: {  	[tilespmem:s22], [sflag:$0x2] =	stream.linear.gather [hbm4b:s28+s25], $0x2800, $0x38;
	[tilespmem:$0x19100] =	vst v63  }
0x50: {  	_ =	swait.ge [sflag:s20], $0x2800  }
0x51: {  	[sflag:s20] =	ssyncset.done $0x0  }
0x52: {  	[sflag:s20] =	ssyncadd.s32 $0xFFFFD800  }
0x53: {  	[tilespmem:s19], [sflag:$0x1] =	stream.indirect.gather [hbm4b:s1+s23], $0x80, s25, s23, $0xb8;
	[tilespmem:$0x19100] =	vst v63  }
0x54: {  	_ =	swait.ge [sflag:s24], $0x2800  }
0x55: {  	[sflag:s24] =	ssyncset.done $0x0  }
0x56: {  	s28 =	simm.s32 $0x0;
	[sflag:s24] =	ssyncadd.s32 $0xFFFFD800  }
0x57: {  	v8 =	vld [tilespmem:s28+$0x100]  }
0x58: {  	v12 =	vld [tilespmem:s28+$0x110]  }
0x59: {  	v6 =	vld [tilespmem:s28+$0x120]  }
0x5a: {  	v5 =	vld [tilespmem:s28+$0x130]  }
0x5b: {  	v4 =	vld [tilespmem:s28+$0x140]  }
0x5c: {  	v3 =	vld [tilespmem:s28+$0x150]  }
0x5d: {  	v2 =	vld [tilespmem:s28+$0x160]  }
0x5e: {  	v1 =	vld [tilespmem:s28+$0x170]  }
0x5f: {  	v13 =	vld [tilespmem:s28+$0x2900]  }
0x60: {  	v14 =	vld [tilespmem:s28+$0x2910]  }
0x61: {  	v11 =	vld [tilespmem:s28+$0x2920]  }
0x62: {  	v10 =	vld [tilespmem:s28+$0x2930]  }
0x63: {  	v9 =	vld [tilespmem:s28+$0x2940]  }
0x64: {  	v7 =	vld [tilespmem:s28+$0x2950];
	v13 =	vmul.f32 v8, v13  }
0x65: {  	s29 =	simm.s32 $0x200;
	v12 =	vmul.f32 v12, v14;
	v8 =	vld [tilespmem:s28+$0x2960]  }
.LBB2_5:
0x66: {  	s30 =	sshra.s32 s29, $0x2;
	p0 =	sne.s32 s29, $0x9E00;
	[tilespmem:s28+$0x2900] =	vst v13;
	v6 =	vmul.f32 v6, v11;
	v11 =	vld [tilespmem:s28+$0x2970]  }
0x67: {  	v13 =	vld [tilespmem:s30+$0x100];
	[tilespmem:s28+$0x2910] =	vst v12;
	v5 =	vmul.f32 v5, v10  }
0x68: {  	v12 =	vld [tilespmem:s30+$0x110];
	[tilespmem:s28+$0x2920] =	vst v6;
	v4 =	vmul.f32 v4, v9  }
0x69: {  	v6 =	vld [tilespmem:s30+$0x120];
	[tilespmem:s28+$0x2930] =	vst v5;
	v3 =	vmul.f32 v3, v7  }
0x6a: {  	v5 =	vld [tilespmem:s30+$0x130];
	[tilespmem:s28+$0x2940] =	vst v4;
	v2 =	vmul.f32 v2, v8  }
0x6b: {  	v4 =	vld [tilespmem:s30+$0x140];
	[tilespmem:s28+$0x2950] =	vst v3;
	v1 =	vmul.f32 v1, v11  }
0x6c: {  	v3 =	vld [tilespmem:s30+$0x150];
	[tilespmem:s28+$0x2960] =	vst v2  }
0x6d: {  	v2 =	vld [tilespmem:s30+$0x160];
	[tilespmem:s28+$0x2970] =	vst v1;
	s28 =	smov.u32 s30  }
0x6e: {  	v1 =	vld [tilespmem:s28+$0x170]  }
0x6f: {  	v7 =	vld [tilespmem:s28+$0x2900]  }
0x70: {  	v8 =	vld [tilespmem:s28+$0x2910]  }
.Ltmp1:
0x71: {  	v11 =	vld [tilespmem:s28+$0x2920];
	(pc) =	sbr.rel @p0 .LBB2_5-.Ltmp1, $4  }
0x72: {  	v10 =	vld [tilespmem:s28+$0x2930]  }
0x73: {  	v9 =	vld [tilespmem:s28+$0x2940]  }
0x74: {  	v13 =	vmul.f32 v13, v7;
	v7 =	vld [tilespmem:s28+$0x2950]  }
0x75: {  	s29 =	sadd.s32 $0x200, s29;
	v12 =	vmul.f32 v12, v8;
	v8 =	vld [tilespmem:s28+$0x2960]  }
0x76: {  	[tilespmem:s28+$0x2900] =	vst v13;
	v6 =	vmul.f32 v6, v11;
	v63 =	vld [tilespmem:s28+$0x2970]  }
0x77: {  	[tilespmem:s28+$0x2910] =	vst v12;
	v5 =	vmul.f32 v5, v10  }
0x78: {  	[tilespmem:s28+$0x2920] =	vst v6;
	v4 =	vmul.f32 v4, v9  }
0x79: {  	[tilespmem:s28+$0x2930] =	vst v5;
	v3 =	vmul.f32 v3, v7  }
0x7a: {  	[tilespmem:s28+$0x2940] =	vst v4;
	v2 =	vmul.f32 v2, v8  }
0x7b: {  	s26 =	sadd.s32 $0x1, s26;
	[tilespmem:s28+$0x2950] =	vst v3;
	v1 =	vmul.f32 v1, v63  }
0x7c: {  	p0 =	sne.s32 s26, $0x7D;
	[tilespmem:s28+$0x2960] =	vst v2  }
.Ltmp2:
0x7d: {  	[tilespmem:s28+$0x2970] =	vst v1;
	(pc) =	sbr.rel @p0 .LBB2_4-.Ltmp2, $4  }
0x7e: {  	[spmem:s2] =	stream.indirect.scatter.add.f32 [tilespmem:s19], [sflag:$0x2], $0x80, s21, s23, $0xb8;
	[tilespmem:$0x19100] =	vst v63  }
0x7f: {  	_ =	swait.ge [sflag:s20], $0x2800  }
0x80: {  	[sflag:s20] =	ssyncset.done $0x0  }
0x81: {  	[sflag:s20] =	ssyncadd.s32 $0xFFFFD800  }
0x82: {  	s4 =	sadd.s32 $0x1, s4  }
0x83: {  	s25 =	sshll.u32 s3, $0x6;
	[bflag:$0x0] =	sbarrier.arrive $0xFFFF;
	p0 =	sne.s32 s4, s11  }
.Ltmp3:
0x84: {  	s26 =	sshrl.u32 s9, $0x3;
	s25 =	sor.u32 $0x1C02, s25;
	(pc) =	sbr.rel @p0 .LBB2_1-.Ltmp3, $4  }
0x85: {  	[hbm:s10], [sflag:s25] =	dma.local [spmem:s26], $0x2800  }
0x86: {  	_ =	swait.ge [sflag:s20], $0x2800  }
0x87: {  	[sflag:s20] =	ssyncset.done $0x0  }
0x88: {  	[sflag:s20] =	ssyncadd.s32 $0xFFFFD800  }
0x89: {  	_ =	sfence.sel $0x180000  }
0x8a: {  	[bflag:$0x0] =	sbarrier.arrive $0xFFFF  }
0x8b: {  	p0 =	sne.s32 s3, $0x0;
	_ =	strace $0x90000047  }
0x8c: {  	s0 =	sadd.s32 @!p0 $0x100000, s0;
	[bflag:$0x2] =	sbarrier.arrive $0xFFFF  }
0x8d: {  	[sflag:s0] =	ssyncadd.tile.s32 @!p0 $0x1;
	_ =	shalt  }
.Lfunc_end2:
_tile_overlayer_lowered:
.L_overlay_start_2:
0x8e: {  	(tag) =	ssettag $0x2  }
0x8f: {  	s0 =	rddreg [dreg:$0x0];
	s2 =	stileid.u32  }
0x90: {  	s1 =	rddreg [dreg:$0x1];
	p0 =	sne.s32 s2, $0x0  }
0x91: {  	s3 =	rddreg [dreg:$0x2];
	[bflag:$0x3] =	sbarrier.arrive $0xFFFF;
	s2 =	simm.s32 @!p0 $0x1C02  }
0x92: {  	[timem:s3], [sflag:s2] =	dma.local @!p0 [hbm:s0], s1  }
0x93: {  	s0 =	simm.s32 @!p0 $0x2  }
0x94: {  	_ =	swait.ge @!p0 [sflag:s0], s1  }
0x95: {  	s1 =	ssub.s32 @!p0 $0x0, s1;
	[sflag:s0] =	ssyncset.done @!p0 $0x0  }
0x96: {  	[sflag:s0] =	ssyncadd.s32 @!p0 s1  }
0x97: {  	[bflag:$0x3] =	sbarrier.arrive $0xFFFF  }
0x98: {  	_ =	shalt  }

</sc_bundles>
